<compile_context>
chip_gen: v7x
topology: tpu7x:2x2x1
jax: 0.10.2.dev20260603
libtpu: 0.0.44.dev20260713+nightly
codegen_flags: <defaults>
</compile_context>

<pallas_src>
import functools

import jax
import jax.numpy as jnp
from jax import lax
from jax.experimental import pallas as pl
from jax.experimental.pallas import tpu as pltpu
from jax.experimental.pallas import tpu_sc as plsc

VOCAB = 1_000_000
EMBED_DIM = 64
NUM_CLASSES = 100
BATCH = 4096
SEQ_LEN = 200

NUM_CORES = 2
NUM_SUBCORES = 16
NUM_WORKERS = NUM_CORES * NUM_SUBCORES
B_PER_W = BATCH // NUM_WORKERS
LANES = 16

_SLICES = [(0, 104), (104, 96)]

_mesh = plsc.VectorSubcoreMesh(core_axis_name="c", subcore_axis_name="s")


@functools.partial(
    pl.kernel,
    mesh=_mesh,
    compiler_params=pltpu.CompilerParams(use_tc_tiling_on_sc=False),
    out_type=jax.ShapeDtypeStruct((BATCH, EMBED_DIM), jnp.float32),
    scratch_types=[
        pltpu.VMEM((B_PER_W, SEQ_LEN), jnp.int32),
        pltpu.VMEM((2, SEQ_LEN, EMBED_DIM), jnp.float32),
        pltpu.VMEM((B_PER_W, EMBED_DIM), jnp.float32),
        pltpu.SemaphoreType.DMA,
        pltpu.SemaphoreType.DMA,
    ],
)
def _pool(tok_hbm, table_hbm, out_hbm, idx_v, rows_v, out_v, sem0, sem1):
    wid = lax.axis_index("s") * NUM_CORES + lax.axis_index("c")
    base = wid * B_PER_W
    sems = (sem0, sem1)

    pltpu.sync_copy(tok_hbm.at[pl.ds(base, B_PER_W)], idx_v)

    def issue(u, buf):
        for off, n in _SLICES:
            pltpu.async_copy(
                table_hbm.at[idx_v.at[u, pl.ds(off, n)]],
                rows_v.at[buf, pl.ds(off, n)],
                sems[buf],
            )

    def drain(u, buf):
        for off, n in _SLICES:
            pltpu.make_async_copy(
                table_hbm.at[idx_v.at[u, pl.ds(off, n)]],
                rows_v.at[buf, pl.ds(off, n)],
                sems[buf],
            ).wait()

    zero = jnp.zeros((LANES,), jnp.float32)

    issue(0, 0)
    issue(1, 1)

    def outer(u0):
        for buf in range(2):
            u = u0 + buf
            drain(u, buf)
            rows_b = rows_v.at[buf]

            def acc_body(r, carry):
                return tuple(
                    carry[k] + rows_b[r, pl.ds(k * LANES, LANES)]
                    for k in range(4)
                )

            acc = lax.fori_loop(0, SEQ_LEN, acc_body, (zero,) * 4)
            for k in range(4):
                out_v[u, pl.ds(k * LANES, LANES)] = acc[k]

            @pl.when(u + 2 < B_PER_W)
            def _():
                issue(u + 2, buf)

    lax.fori_loop(0, B_PER_W // 2, lambda i, _: (outer(2 * i), 0)[1], 0)

    pltpu.sync_copy(out_v, out_hbm.at[pl.ds(base, B_PER_W)])


_RETILE_BLK = 11904
_MAIN_STEPS = 42
_PAIR_OFF = _MAIN_STEPS * _RETILE_BLK
_TAIL_BLOCK = 84


def _retile_body(a_ref, b_ref, o_ref):
    i = pl.program_id(0)
    inv = jnp.float32(1.0 / SEQ_LEN)
    a = a_ref[...]

    @pl.when(i < _MAIN_STEPS)
    def _():
        z = jnp.concatenate([a, b_ref[...]], axis=0)
        o_ref[...] = z.T * inv

    @pl.when(i == _MAIN_STEPS)
    def _():
        z = jnp.concatenate([a, jnp.roll(a, -32, axis=1)], axis=0)
        o_ref[...] = z.T * inv


def _retile(table_t):
    return pl.pallas_call(
        _retile_body,
        out_shape=jax.ShapeDtypeStruct((500032, 2 * EMBED_DIM), jnp.float32),
        grid=(_MAIN_STEPS + 1,),
        in_specs=[
            pl.BlockSpec(
                (EMBED_DIM, _RETILE_BLK),
                lambda i: (0, jnp.where(i < _MAIN_STEPS, i, _TAIL_BLOCK)),
            ),
            pl.BlockSpec(
                (EMBED_DIM, _RETILE_BLK),
                lambda i: (0, jnp.where(i < _MAIN_STEPS, i + _MAIN_STEPS,
                                        _TAIL_BLOCK)),
            ),
        ],
        out_specs=pl.BlockSpec((_RETILE_BLK, 2 * EMBED_DIM), lambda i: (i, 0)),
    )(table_t, table_t)


def _head_body(p_ref, w_ref, b_ref, o_ref):
    o_ref[...] = (
        jnp.dot(p_ref[...], w_ref[...], preferred_element_type=jnp.float32)
        + b_ref[...]
    )


def _head(pooled, W, b):
    blk = 512
    return pl.pallas_call(
        _head_body,
        out_shape=jax.ShapeDtypeStruct((BATCH, NUM_CLASSES), jnp.float32),
        grid=(BATCH // blk,),
        in_specs=[
            pl.BlockSpec((blk, EMBED_DIM), lambda i: (i, 0)),
            pl.BlockSpec((EMBED_DIM, NUM_CLASSES), lambda i: (0, 0)),
            pl.BlockSpec((1, NUM_CLASSES), lambda i: (0, 0)),
        ],
        out_specs=pl.BlockSpec((blk, NUM_CLASSES), lambda i: (i, 0)),
    )(pooled, W, b.reshape(1, NUM_CLASSES))


def kernel(utteranceTokens, embedding_table, W, b):
    t = utteranceTokens.astype(jnp.int32)
    d = t - 999936
    tok2 = jnp.where(
        t < 499968,
        2 * t,
        jnp.where(
            t < 999936,
            2 * t - 999935,
            jnp.where(d < 32, 999936 + 2 * d, 999873 + 2 * d),
        ),
    )
    tbl_lin = _retile(embedding_table.T).reshape(2 * 500032, EMBED_DIM)
    pooled = _pool(tok2, tbl_lin)
    return _head(pooled, W, b)

# --- scband reference (transcript-rebuilt; emitter-appended) ---
"""Pipeline reference for scband-simple-classifier-2224793060098 (READ-ONLY COPY).

The authoritative reference and input builder live on the scoring server;
editing this copy changes nothing except your own understanding.
"""

import jax, jax.numpy as jnp
import numpy as np

VOCAB = 1000000
EMBED_DIM = 64
NUM_CLASSES = 100
BATCH = 4096
SEQ_LEN = 200


def setup_inputs(seed: int = 0) -> dict:
    key = jax.random.key(seed)
    k_tok, k_tab, k_w, k_b = jax.random.split(key, 4)
    utteranceTokens = jax.random.randint(k_tok, (BATCH, SEQ_LEN), 0, VOCAB, dtype=jnp.int64 if jax.config.jax_enable_x64 else jnp.int32)
    embedding_table = jax.random.normal(k_tab, (VOCAB, EMBED_DIM), dtype=jnp.float32)
    W = jax.random.normal(k_w, (EMBED_DIM, NUM_CLASSES), dtype=jnp.float32) * (1.0 / np.sqrt(EMBED_DIM))
    b = jax.random.normal(k_b, (NUM_CLASSES,), dtype=jnp.float32) * 0.01
    return {"utteranceTokens": utteranceTokens, "embedding_table": embedding_table, "W": W, "b": b}


def reference(utteranceTokens, embedding_table, W, b):
    # embedding lookup: (B, L) -> (B, L, D)
    embeddings = jnp.take(embedding_table, utteranceTokens, axis=0)
    # mean over sequence dim: (B, D)
    utterance = jnp.mean(embeddings, axis=1)
    # linear head: (B, num_classes)
    output = utterance @ W + b
    return output

if __name__ == "__main__":
    import jax
    _d = setup_inputs()
    print(jax.jit(kernel)(*tuple(_d.values())))

</pallas_src>

<mosaic_0001>
#map = affine_map<(d0, d1) -> (0, 0)>
module attributes {stable_mosaic.version = 14 : i64} {
  func.func @_pool(%arg0: i32, %arg1: i32, %arg2: memref<4096x200xi32, #tpu.memory_space<hbm>>, %arg3: memref<1000064x64xf32, #tpu.memory_space<hbm>>, %arg4: memref<4096x64xf32, #tpu.memory_space<hbm>>, %arg5: memref<128x200xi32, #tpu.memory_space<vmem>>, %arg6: memref<2x200x64xf32, #tpu.memory_space<vmem>>, %arg7: memref<128x64xf32, #tpu.memory_space<vmem>>, %arg8: memref<!tpu.dma_semaphore, #tpu.memory_space<semaphore_mem>>, %arg9: memref<!tpu.dma_semaphore, #tpu.memory_space<semaphore_mem>>) attributes {dimension_semantics = [#tpu.dimension_semantics<core_parallel>, #tpu.dimension_semantics<subcore_parallel>], iteration_bounds = array<i64: 2, 16>, scalar_prefetch = 0 : i64, scratch_operands = 5 : i64, tpu.core_type = #tpu.core_type<sc_vector_subcore>, window_params = [{transform_indices = #map}, {transform_indices = #map}, {transform_indices = #map}]} {
    %mul3A = arith.constant 2 : i32
    %mul3A_0 = arith.muli %arg1, %mul3A : i32
    %add3A = arith.addi %mul3A_0, %arg0 : i32
    %mul3A_1 = arith.constant 128 : i32
    %mul3A_2 = arith.muli %add3A, %mul3A_1 : i32
    "tpu.region"() ({
      %run_scoped3A = tpu.sem_alloc : memref<!tpu.dma_semaphore, #tpu.memory_space<semaphore_mem>>
      %dma_start3A_57 = arith.constant 0 : i32
      %dma_start3A_58 = tpu.memref_slice %arg2[%mul3A_2, %dma_start3A_57] : memref<4096x200xi32, #tpu.memory_space<hbm>> -> memref<128x200xi32, #tpu.memory_space<hbm>>
      %dma_start3A_59 = arith.constant 0 : i32
      %dma_start3A_60 = tpu.memref_slice %arg2[%mul3A_2, %dma_start3A_59] : memref<4096x200xi32, #tpu.memory_space<hbm>> -> memref<128x200xi32, #tpu.memory_space<hbm>>
      tpu.enqueue_dma source(%dma_start3A_60 : memref<128x200xi32, #tpu.memory_space<hbm>>) target(%arg5 : memref<128x200xi32, #tpu.memory_space<vmem>>) target_semaphore(%run_scoped3A : memref<!tpu.dma_semaphore, #tpu.memory_space<semaphore_mem>>)
      %dma_wait3A = arith.constant 0 : i32
      %dma_wait3A_61 = tpu.memref_slice %arg2[%mul3A_2, %dma_wait3A] : memref<4096x200xi32, #tpu.memory_space<hbm>> -> memref<128x200xi32, #tpu.memory_space<hbm>>
      %dma_wait3A_62 = arith.constant 0 : i32
      %dma_wait3A_63 = tpu.memref_slice %arg2[%mul3A_2, %dma_wait3A_62] : memref<4096x200xi32, #tpu.memory_space<hbm>> -> memref<128x200xi32, #tpu.memory_space<hbm>>
      tpu.wait_dma2 semaphore(%run_scoped3A : memref<!tpu.dma_semaphore, #tpu.memory_space<semaphore_mem>>) src(%dma_wait3A_63 : memref<128x200xi32, #tpu.memory_space<hbm>>) dst(%arg5 : memref<128x200xi32, #tpu.memory_space<vmem>>)
      tpu.yield
    }) : () -> ()
    %broadcast_in_dim3A = arith.constant 0.000000e+00 : f32
    %broadcast_in_dim3A_3 = vector.broadcast %broadcast_in_dim3A : f32 to vector<16xf32>
    %dma_start3A = arith.constant 0 : i32
    %dma_start3A_4 = arith.constant 0 : i32
    %dma_start3A_5 = arith.constant 0 : i32
    %dma_start3A_6 = arith.constant 0 : i32
    %dma_start3A_7 = tpu.memref_slice %arg6[%dma_start3A_4, %dma_start3A_5, %dma_start3A_6] : memref<2x200x64xf32, #tpu.memory_space<vmem>> -> memref<1x104x64xf32, #tpu.memory_space<vmem>>
    %dma_start3A_8 = tpu.memref_squeeze %dma_start3A_7 : memref<1x104x64xf32, #tpu.memory_space<vmem>> -> memref<104x64xf32, #tpu.memory_space<vmem>>
    %dma_start3A_9 = arith.constant 0 : i32
    %dma_start3A_10 = tpu.memref_slice %arg5[%dma_start3A, %dma_start3A_9] : memref<128x200xi32, #tpu.memory_space<vmem>> -> memref<1x104xi32, #tpu.memory_space<vmem>>
    %dma_start3A_11 = tpu.memref_squeeze %dma_start3A_10 : memref<1x104xi32, #tpu.memory_space<vmem>> -> memref<104xi32, #tpu.memory_space<vmem>>
    %dma_start3A_12 = arith.constant 0 : i32
    %dma_start3A_13 = arith.constant 0 : i32
    %dma_start3A_14 = tpu.memref_slice %arg3[%dma_start3A_12, %dma_start3A_13] : memref<1000064x64xf32, #tpu.memory_space<hbm>> -> memref<1000064x64xf32, #tpu.memory_space<hbm>>
    tpu.enqueue_indirect_dma source(%dma_start3A_14 : memref<1000064x64xf32, #tpu.memory_space<hbm>>) target(%dma_start3A_8 : memref<104x64xf32, #tpu.memory_space<vmem>>) offsets(%dma_start3A_11 : memref<104xi32, #tpu.memory_space<vmem>>) semaphore(%arg8 : memref<!tpu.dma_semaphore, #tpu.memory_space<semaphore_mem>>)
    %dma_start3A_15 = arith.constant 0 : i32
    %dma_start3A_16 = arith.constant 0 : i32
    %dma_start3A_17 = arith.constant 104 : i32
    %dma_start3A_18 = arith.constant 0 : i32
    %dma_start3A_19 = tpu.memref_slice %arg6[%dma_start3A_16, %dma_start3A_17, %dma_start3A_18] : memref<2x200x64xf32, #tpu.memory_space<vmem>> -> memref<1x96x64xf32, #tpu.memory_space<vmem>>
    %dma_start3A_20 = tpu.memref_squeeze %dma_start3A_19 : memref<1x96x64xf32, #tpu.memory_space<vmem>> -> memref<96x64xf32, #tpu.memory_space<vmem>>
    %dma_start3A_21 = arith.constant 104 : i32
    %dma_start3A_22 = tpu.memref_slice %arg5[%dma_start3A_15, %dma_start3A_21] : memref<128x200xi32, #tpu.memory_space<vmem>> -> memref<1x96xi32, #tpu.memory_space<vmem>>
    %dma_start3A_23 = tpu.memref_squeeze %dma_start3A_22 : memref<1x96xi32, #tpu.memory_space<vmem>> -> memref<96xi32, #tpu.memory_space<vmem>>
    %dma_start3A_24 = arith.constant 0 : i32
    %dma_start3A_25 = arith.constant 0 : i32
    %dma_start3A_26 = tpu.memref_slice %arg3[%dma_start3A_24, %dma_start3A_25] : memref<1000064x64xf32, #tpu.memory_space<hbm>> -> memref<1000064x64xf32, #tpu.memory_space<hbm>>
    tpu.enqueue_indirect_dma source(%dma_start3A_26 : memref<1000064x64xf32, #tpu.memory_space<hbm>>) target(%dma_start3A_20 : memref<96x64xf32, #tpu.memory_space<vmem>>) offsets(%dma_start3A_23 : memref<96xi32, #tpu.memory_space<vmem>>) semaphore(%arg8 : memref<!tpu.dma_semaphore, #tpu.memory_space<semaphore_mem>>)
    %dma_start3A_27 = arith.constant 1 : i32
    %dma_start3A_28 = arith.constant 1 : i32
    %dma_start3A_29 = arith.constant 0 : i32
    %dma_start3A_30 = arith.constant 0 : i32
    %dma_start3A_31 = tpu.memref_slice %arg6[%dma_start3A_28, %dma_start3A_29, %dma_start3A_30] : memref<2x200x64xf32, #tpu.memory_space<vmem>> -> memref<1x104x64xf32, #tpu.memory_space<vmem>>
    %dma_start3A_32 = tpu.memref_squeeze %dma_start3A_31 : memref<1x104x64xf32, #tpu.memory_space<vmem>> -> memref<104x64xf32, #tpu.memory_space<vmem>>
    %dma_start3A_33 = arith.constant 0 : i32
    %dma_start3A_34 = tpu.memref_slice %arg5[%dma_start3A_27, %dma_start3A_33] : memref<128x200xi32, #tpu.memory_space<vmem>> -> memref<1x104xi32, #tpu.memory_space<vmem>>
    %dma_start3A_35 = tpu.memref_squeeze %dma_start3A_34 : memref<1x104xi32, #tpu.memory_space<vmem>> -> memref<104xi32, #tpu.memory_space<vmem>>
    %dma_start3A_36 = arith.constant 0 : i32
    %dma_start3A_37 = arith.constant 0 : i32
    %dma_start3A_38 = tpu.memref_slice %arg3[%dma_start3A_36, %dma_start3A_37] : memref<1000064x64xf32, #tpu.memory_space<hbm>> -> memref<1000064x64xf32, #tpu.memory_space<hbm>>
    tpu.enqueue_indirect_dma source(%dma_start3A_38 : memref<1000064x64xf32, #tpu.memory_space<hbm>>) target(%dma_start3A_32 : memref<104x64xf32, #tpu.memory_space<vmem>>) offsets(%dma_start3A_35 : memref<104xi32, #tpu.memory_space<vmem>>) semaphore(%arg9 : memref<!tpu.dma_semaphore, #tpu.memory_space<semaphore_mem>>)
    %dma_start3A_39 = arith.constant 1 : i32
    %dma_start3A_40 = arith.constant 1 : i32
    %dma_start3A_41 = arith.constant 104 : i32
    %dma_start3A_42 = arith.constant 0 : i32
    %dma_start3A_43 = tpu.memref_slice %arg6[%dma_start3A_40, %dma_start3A_41, %dma_start3A_42] : memref<2x200x64xf32, #tpu.memory_space<vmem>> -> memref<1x96x64xf32, #tpu.memory_space<vmem>>
    %dma_start3A_44 = tpu.memref_squeeze %dma_start3A_43 : memref<1x96x64xf32, #tpu.memory_space<vmem>> -> memref<96x64xf32, #tpu.memory_space<vmem>>
    %dma_start3A_45 = arith.constant 104 : i32
    %dma_start3A_46 = tpu.memref_slice %arg5[%dma_start3A_39, %dma_start3A_45] : memref<128x200xi32, #tpu.memory_space<vmem>> -> memref<1x96xi32, #tpu.memory_space<vmem>>
    %dma_start3A_47 = tpu.memref_squeeze %dma_start3A_46 : memref<1x96xi32, #tpu.memory_space<vmem>> -> memref<96xi32, #tpu.memory_space<vmem>>
    %dma_start3A_48 = arith.constant 0 : i32
    %dma_start3A_49 = arith.constant 0 : i32
    %dma_start3A_50 = tpu.memref_slice %arg3[%dma_start3A_48, %dma_start3A_49] : memref<1000064x64xf32, #tpu.memory_space<hbm>> -> memref<1000064x64xf32, #tpu.memory_space<hbm>>
    tpu.enqueue_indirect_dma source(%dma_start3A_50 : memref<1000064x64xf32, #tpu.memory_space<hbm>>) target(%dma_start3A_44 : memref<96x64xf32, #tpu.memory_space<vmem>>) offsets(%dma_start3A_47 : memref<96xi32, #tpu.memory_space<vmem>>) semaphore(%arg9 : memref<!tpu.dma_semaphore, #tpu.memory_space<semaphore_mem>>)
    %scan3A = arith.constant 0 : i32
    %scan3A_51 = arith.constant 0 : i32
    %scan3A_52 = arith.constant 64 : i32
    %scan3A_53 = arith.addi %scan3A_51, %scan3A_52 : i32
    %scan3A_54 = arith.constant 1 : i32
    %scan3A_55 = scf.for %scan3A_57 = %scan3A_51 to %scan3A_53 step %scan3A_54 iter_args(%scan3A_58 = %scan3A) -> (i32)  : i32 {
      %mul3A_59 = arith.constant 2 : i32
      %mul3A_60 = arith.muli %mul3A_59, %scan3A_57 : i32
      %add3A_61 = arith.constant 0 : i32
      %add3A_62 = arith.addi %mul3A_60, %add3A_61 : i32
      %dma_wait3A = arith.constant 0 : i32
      %dma_wait3A_63 = arith.constant 0 : i32
      %dma_wait3A_64 = arith.constant 0 : i32
      %dma_wait3A_65 = tpu.memref_slice %arg6[%dma_wait3A, %dma_wait3A_63, %dma_wait3A_64] : memref<2x200x64xf32, #tpu.memory_space<vmem>> -> memref<1x104x64xf32, #tpu.memory_space<vmem>>
      %dma_wait3A_66 = tpu.memref_squeeze %dma_wait3A_65 : memref<1x104x64xf32, #tpu.memory_space<vmem>> -> memref<104x64xf32, #tpu.memory_space<vmem>>
      %dma_wait3A_67 = arith.constant 0 : i32
      %dma_wait3A_68 = tpu.memref_slice %arg5[%add3A_62, %dma_wait3A_67] : memref<128x200xi32, #tpu.memory_space<vmem>> -> memref<1x104xi32, #tpu.memory_space<vmem>>
      %dma_wait3A_69 = tpu.memref_squeeze %dma_wait3A_68 : memref<1x104xi32, #tpu.memory_space<vmem>> -> memref<104xi32, #tpu.memory_space<vmem>>
      %dma_wait3A_70 = arith.constant 0 : i32
      %dma_wait3A_71 = arith.constant 0 : i32
      %dma_wait3A_72 = tpu.memref_slice %arg3[%dma_wait3A_70, %dma_wait3A_71] : memref<1000064x64xf32, #tpu.memory_space<hbm>> -> memref<1000064x64xf32, #tpu.memory_space<hbm>>
      tpu.wait_indirect_dma semaphore(%arg8 : memref<!tpu.dma_semaphore, #tpu.memory_space<semaphore_mem>>) src(%dma_wait3A_72 : memref<1000064x64xf32, #tpu.memory_space<hbm>>) dst(%dma_wait3A_66 : memref<104x64xf32, #tpu.memory_space<vmem>>)
      %dma_wait3A_73 = arith.constant 0 : i32
      %dma_wait3A_74 = arith.constant 104 : i32
      %dma_wait3A_75 = arith.constant 0 : i32
      %dma_wait3A_76 = tpu.memref_slice %arg6[%dma_wait3A_73, %dma_wait3A_74, %dma_wait3A_75] : memref<2x200x64xf32, #tpu.memory_space<vmem>> -> memref<1x96x64xf32, #tpu.memory_space<vmem>>
      %dma_wait3A_77 = tpu.memref_squeeze %dma_wait3A_76 : memref<1x96x64xf32, #tpu.memory_space<vmem>> -> memref<96x64xf32, #tpu.memory_space<vmem>>
      %dma_wait3A_78 = arith.constant 104 : i32
      %dma_wait3A_79 = tpu.memref_slice %arg5[%add3A_62, %dma_wait3A_78] : memref<128x200xi32, #tpu.memory_space<vmem>> -> memref<1x96xi32, #tpu.memory_space<vmem>>
      %dma_wait3A_80 = tpu.memref_squeeze %dma_wait3A_79 : memref<1x96xi32, #tpu.memory_space<vmem>> -> memref<96xi32, #tpu.memory_space<vmem>>
      %dma_wait3A_81 = arith.constant 0 : i32
      %dma_wait3A_82 = arith.constant 0 : i32
      %dma_wait3A_83 = tpu.memref_slice %arg3[%dma_wait3A_81, %dma_wait3A_82] : memref<1000064x64xf32, #tpu.memory_space<hbm>> -> memref<1000064x64xf32, #tpu.memory_space<hbm>>
      tpu.wait_indirect_dma semaphore(%arg8 : memref<!tpu.dma_semaphore, #tpu.memory_space<semaphore_mem>>) src(%dma_wait3A_83 : memref<1000064x64xf32, #tpu.memory_space<hbm>>) dst(%dma_wait3A_77 : memref<96x64xf32, #tpu.memory_space<vmem>>)
      %scan3A_84 = arith.constant 0 : i32
      %scan3A_85 = arith.constant 0 : i32
      %scan3A_86 = arith.constant 200 : i32
      %scan3A_87 = arith.addi %scan3A_85, %scan3A_86 : i32
      %scan3A_88 = arith.constant 1 : i32
      %scan3A_89:4 = scf.for %scan3A_173 = %scan3A_85 to %scan3A_87 step %scan3A_88 iter_args(%scan3A_174 = %broadcast_in_dim3A_3, %scan3A_175 = %broadcast_in_dim3A_3, %scan3A_176 = %broadcast_in_dim3A_3, %scan3A_177 = %broadcast_in_dim3A_3) -> (vector<16xf32>, vector<16xf32>, vector<16xf32>, vector<16xf32>)  : i32 {
        %get3A = arith.constant 0 : i32
        %get3A_178 = arith.constant 0 : i32
        %get3A_179 = tpu.memref_slice %arg6[%scan3A_84, %get3A, %get3A_178] : memref<2x200x64xf32, #tpu.memory_space<vmem>> -> memref<1x200x64xf32, #tpu.memory_space<vmem>>
        %get3A_180 = tpu.memref_squeeze %get3A_179 : memref<1x200x64xf32, #tpu.memory_space<vmem>> -> memref<200x64xf32, #tpu.memory_space<vmem>>
        %get3A_181 = arith.index_cast %scan3A_173 : i32 to index
        %get3A_182 = arith.constant 0 : index
        %get3A_183 = tpu.vector_load %get3A_180[%get3A_181, %get3A_182] {strides = array<i32>} : memref<200x64xf32, #tpu.memory_space<vmem>>, vector<1x16xf32>,
        %get3A_184 = vector.shape_cast %get3A_183 : vector<1x16xf32> to vector<16xf32>
        %add3A_185 = arith.addf %scan3A_174, %get3A_184 : vector<16xf32>
        %get3A_186 = arith.constant 0 : i32
        %get3A_187 = arith.constant 0 : i32
        %get3A_188 = tpu.memref_slice %arg6[%scan3A_84, %get3A_186, %get3A_187] : memref<2x200x64xf32, #tpu.memory_space<vmem>> -> memref<1x200x64xf32, #tpu.memory_space<vmem>>
        %get3A_189 = tpu.memref_squeeze %get3A_188 : memref<1x200x64xf32, #tpu.memory_space<vmem>> -> memref<200x64xf32, #tpu.memory_space<vmem>>
        %get3A_190 = arith.index_cast %scan3A_173 : i32 to index
        %get3A_191 = arith.constant 16 : index
        %get3A_192 = tpu.vector_load %get3A_189[%get3A_190, %get3A_191] {strides = array<i32>} : memref<200x64xf32, #tpu.memory_space<vmem>>, vector<1x16xf32>,
        %get3A_193 = vector.shape_cast %get3A_192 : vector<1x16xf32> to vector<16xf32>
        %add3A_194 = arith.addf %scan3A_175, %get3A_193 : vector<16xf32>
        %get3A_195 = arith.constant 0 : i32
        %get3A_196 = arith.constant 0 : i32
        %get3A_197 = tpu.memref_slice %arg6[%scan3A_84, %get3A_195, %get3A_196] : memref<2x200x64xf32, #tpu.memory_space<vmem>> -> memref<1x200x64xf32, #tpu.memory_space<vmem>>
        %get3A_198 = tpu.memref_squeeze %get3A_197 : memref<1x200x64xf32, #tpu.memory_space<vmem>> -> memref<200x64xf32, #tpu.memory_space<vmem>>
        %get3A_199 = arith.index_cast %scan3A_173 : i32 to index
        %get3A_200 = arith.constant 32 : index
        %get3A_201 = tpu.vector_load %get3A_198[%get3A_199, %get3A_200] {strides = array<i32>} : memref<200x64xf32, #tpu.memory_space<vmem>>, vector<1x16xf32>,
        %get3A_202 = vector.shape_cast %get3A_201 : vector<1x16xf32> to vector<16xf32>
        %add3A_203 = arith.addf %scan3A_176, %get3A_202 : vector<16xf32>
        %get3A_204 = arith.constant 0 : i32
        %get3A_205 = arith.constant 0 : i32
        %get3A_206 = tpu.memref_slice %arg6[%scan3A_84, %get3A_204, %get3A_205] : memref<2x200x64xf32, #tpu.memory_space<vmem>> -> memref<1x200x64xf32, #tpu.memory_space<vmem>>
        %get3A_207 = tpu.memref_squeeze %get3A_206 : memref<1x200x64xf32, #tpu.memory_space<vmem>> -> memref<200x64xf32, #tpu.memory_space<vmem>>
        %get3A_208 = arith.index_cast %scan3A_173 : i32 to index
        %get3A_209 = arith.constant 48 : index
        %get3A_210 = tpu.vector_load %get3A_207[%get3A_208, %get3A_209] {strides = array<i32>} : memref<200x64xf32, #tpu.memory_space<vmem>>, vector<1x16xf32>,
        %get3A_211 = vector.shape_cast %get3A_210 : vector<1x16xf32> to vector<16xf32>
        %add3A_212 = arith.addf %scan3A_177, %get3A_211 : vector<16xf32>
        scf.yield %add3A_185, %add3A_194, %add3A_203, %add3A_212 : vector<16xf32>, vector<16xf32>, vector<16xf32>, vector<16xf32>
      }
      %scan3A_90 = arith.constant 200 : i32
      %swap3A = arith.index_cast %add3A_62 : i32 to index
      %swap3A_91 = arith.constant 0 : index
      %swap3A_92 = tpu.vector_load %arg7[%swap3A, %swap3A_91] {strides = array<i32>} : memref<128x64xf32, #tpu.memory_space<vmem>>, vector<1x16xf32>,
      %swap3A_93 = vector.shape_cast %swap3A_92 : vector<1x16xf32> to vector<16xf32>
      %swap3A_94 = vector.shape_cast %scan3A_89#0 : vector<16xf32> to vector<1x16xf32>
      tpu.vector_store %arg7[%swap3A, %swap3A_91], %swap3A_94 {strides = array<i32>} : memref<128x64xf32, #tpu.memory_space<vmem>>, vector<1x16xf32>,
      %swap3A_95 = arith.index_cast %add3A_62 : i32 to index
      %swap3A_96 = arith.constant 16 : index
      %swap3A_97 = tpu.vector_load %arg7[%swap3A_95, %swap3A_96] {strides = array<i32>} : memref<128x64xf32, #tpu.memory_space<vmem>>, vector<1x16xf32>,
      %swap3A_98 = vector.shape_cast %swap3A_97 : vector<1x16xf32> to vector<16xf32>
      %swap3A_99 = vector.shape_cast %scan3A_89#1 : vector<16xf32> to vector<1x16xf32>
      tpu.vector_store %arg7[%swap3A_95, %swap3A_96], %swap3A_99 {strides = array<i32>} : memref<128x64xf32, #tpu.memory_space<vmem>>, vector<1x16xf32>,
      %swap3A_100 = arith.index_cast %add3A_62 : i32 to index
      %swap3A_101 = arith.constant 32 : index
      %swap3A_102 = tpu.vector_load %arg7[%swap3A_100, %swap3A_101] {strides = array<i32>} : memref<128x64xf32, #tpu.memory_space<vmem>>, vector<1x16xf32>,
      %swap3A_103 = vector.shape_cast %swap3A_102 : vector<1x16xf32> to vector<16xf32>
      %swap3A_104 = vector.shape_cast %scan3A_89#2 : vector<16xf32> to vector<1x16xf32>
      tpu.vector_store %arg7[%swap3A_100, %swap3A_101], %swap3A_104 {strides = array<i32>} : memref<128x64xf32, #tpu.memory_space<vmem>>, vector<1x16xf32>,
      %swap3A_105 = arith.index_cast %add3A_62 : i32 to index
      %swap3A_106 = arith.constant 48 : index
      %swap3A_107 = tpu.vector_load %arg7[%swap3A_105, %swap3A_106] {strides = array<i32>} : memref<128x64xf32, #tpu.memory_space<vmem>>, vector<1x16xf32>,
      %swap3A_108 = vector.shape_cast %swap3A_107 : vector<1x16xf32> to vector<16xf32>
      %swap3A_109 = vector.shape_cast %scan3A_89#3 : vector<16xf32> to vector<1x16xf32>
      tpu.vector_store %arg7[%swap3A_105, %swap3A_106], %swap3A_109 {strides = array<i32>} : memref<128x64xf32, #tpu.memory_space<vmem>>, vector<1x16xf32>,
      %add3A_110 = arith.constant 2 : i32
      %add3A_111 = arith.addi %add3A_62, %add3A_110 : i32
      %lt3A = arith.constant 128 : i32
      %lt3A_112 = arith.cmpi slt, %add3A_111, %lt3A : i32
      %convert_element_type3A = arith.extui %lt3A_112 : i1 to i32
      %cond3A = arith.constant 0 : i32
      %cond3A_113 = arith.cmpi ne, %convert_element_type3A, %cond3A : i32
      scf.if %cond3A_113 {
        %add3A_173 = arith.constant 2 : i32
        %add3A_174 = arith.addi %add3A_62, %add3A_173 : i32
        %dma_start3A_175 = arith.constant 0 : i32
        %dma_start3A_176 = arith.constant 0 : i32
        %dma_start3A_177 = arith.constant 0 : i32
        %dma_start3A_178 = tpu.memref_slice %arg6[%dma_start3A_175, %dma_start3A_176, %dma_start3A_177] : memref<2x200x64xf32, #tpu.memory_space<vmem>> -> memref<1x104x64xf32, #tpu.memory_space<vmem>>
        %dma_start3A_179 = tpu.memref_squeeze %dma_start3A_178 : memref<1x104x64xf32, #tpu.memory_space<vmem>> -> memref<104x64xf32, #tpu.memory_space<vmem>>
        %dma_start3A_180 = arith.constant 0 : i32
        %dma_start3A_181 = tpu.memref_slice %arg5[%add3A_174, %dma_start3A_180] : memref<128x200xi32, #tpu.memory_space<vmem>> -> memref<1x104xi32, #tpu.memory_space<vmem>>
        %dma_start3A_182 = tpu.memref_squeeze %dma_start3A_181 : memref<1x104xi32, #tpu.memory_space<vmem>> -> memref<104xi32, #tpu.memory_space<vmem>>
        %dma_start3A_183 = arith.constant 0 : i32
        %dma_start3A_184 = arith.constant 0 : i32
        %dma_start3A_185 = tpu.memref_slice %arg3[%dma_start3A_183, %dma_start3A_184] : memref<1000064x64xf32, #tpu.memory_space<hbm>> -> memref<1000064x64xf32, #tpu.memory_space<hbm>>
        tpu.enqueue_indirect_dma source(%dma_start3A_185 : memref<1000064x64xf32, #tpu.memory_space<hbm>>) target(%dma_start3A_179 : memref<104x64xf32, #tpu.memory_space<vmem>>) offsets(%dma_start3A_182 : memref<104xi32, #tpu.memory_space<vmem>>) semaphore(%arg8 : memref<!tpu.dma_semaphore, #tpu.memory_space<semaphore_mem>>)
        %dma_start3A_186 = arith.constant 0 : i32
        %dma_start3A_187 = arith.constant 104 : i32
        %dma_start3A_188 = arith.constant 0 : i32
        %dma_start3A_189 = tpu.memref_slice %arg6[%dma_start3A_186, %dma_start3A_187, %dma_start3A_188] : memref<2x200x64xf32, #tpu.memory_space<vmem>> -> memref<1x96x64xf32, #tpu.memory_space<vmem>>
        %dma_start3A_190 = tpu.memref_squeeze %dma_start3A_189 : memref<1x96x64xf32, #tpu.memory_space<vmem>> -> memref<96x64xf32, #tpu.memory_space<vmem>>
        %dma_start3A_191 = arith.constant 104 : i32
        %dma_start3A_192 = tpu.memref_slice %arg5[%add3A_174, %dma_start3A_191] : memref<128x200xi32, #tpu.memory_space<vmem>> -> memref<1x96xi32, #tpu.memory_space<vmem>>
        %dma_start3A_193 = tpu.memref_squeeze %dma_start3A_192 : memref<1x96xi32, #tpu.memory_space<vmem>> -> memref<96xi32, #tpu.memory_space<vmem>>
        %dma_start3A_194 = arith.constant 0 : i32
        %dma_start3A_195 = arith.constant 0 : i32
        %dma_start3A_196 = tpu.memref_slice %arg3[%dma_start3A_194, %dma_start3A_195] : memref<1000064x64xf32, #tpu.memory_space<hbm>> -> memref<1000064x64xf32, #tpu.memory_space<hbm>>
        tpu.enqueue_indirect_dma source(%dma_start3A_196 : memref<1000064x64xf32, #tpu.memory_space<hbm>>) target(%dma_start3A_190 : memref<96x64xf32, #tpu.memory_space<vmem>>) offsets(%dma_start3A_193 : memref<96xi32, #tpu.memory_space<vmem>>) semaphore(%arg8 : memref<!tpu.dma_semaphore, #tpu.memory_space<semaphore_mem>>)
      } else {
      }
      %add3A_114 = arith.constant 1 : i32
      %add3A_115 = arith.addi %mul3A_60, %add3A_114 : i32
      %dma_wait3A_116 = arith.constant 1 : i32
      %dma_wait3A_117 = arith.constant 0 : i32
      %dma_wait3A_118 = arith.constant 0 : i32
      %dma_wait3A_119 = tpu.memref_slice %arg6[%dma_wait3A_116, %dma_wait3A_117, %dma_wait3A_118] : memref<2x200x64xf32, #tpu.memory_space<vmem>> -> memref<1x104x64xf32, #tpu.memory_space<vmem>>
      %dma_wait3A_120 = tpu.memref_squeeze %dma_wait3A_119 : memref<1x104x64xf32, #tpu.memory_space<vmem>> -> memref<104x64xf32, #tpu.memory_space<vmem>>
      %dma_wait3A_121 = arith.constant 0 : i32
      %dma_wait3A_122 = tpu.memref_slice %arg5[%add3A_115, %dma_wait3A_121] : memref<128x200xi32, #tpu.memory_space<vmem>> -> memref<1x104xi32, #tpu.memory_space<vmem>>
      %dma_wait3A_123 = tpu.memref_squeeze %dma_wait3A_122 : memref<1x104xi32, #tpu.memory_space<vmem>> -> memref<104xi32, #tpu.memory_space<vmem>>
      %dma_wait3A_124 = arith.constant 0 : i32
      %dma_wait3A_125 = arith.constant 0 : i32
      %dma_wait3A_126 = tpu.memref_slice %arg3[%dma_wait3A_124, %dma_wait3A_125] : memref<1000064x64xf32, #tpu.memory_space<hbm>> -> memref<1000064x64xf32, #tpu.memory_space<hbm>>
      tpu.wait_indirect_dma semaphore(%arg9 : memref<!tpu.dma_semaphore, #tpu.memory_space<semaphore_mem>>) src(%dma_wait3A_126 : memref<1000064x64xf32, #tpu.memory_space<hbm>>) dst(%dma_wait3A_120 : memref<104x64xf32, #tpu.memory_space<vmem>>)
      %dma_wait3A_127 = arith.constant 1 : i32
      %dma_wait3A_128 = arith.constant 104 : i32
      %dma_wait3A_129 = arith.constant 0 : i32
      %dma_wait3A_130 = tpu.memref_slice %arg6[%dma_wait3A_127, %dma_wait3A_128, %dma_wait3A_129] : memref<2x200x64xf32, #tpu.memory_space<vmem>> -> memref<1x96x64xf32, #tpu.memory_space<vmem>>
      %dma_wait3A_131 = tpu.memref_squeeze %dma_wait3A_130 : memref<1x96x64xf32, #tpu.memory_space<vmem>> -> memref<96x64xf32, #tpu.memory_space<vmem>>
      %dma_wait3A_132 = arith.constant 104 : i32
      %dma_wait3A_133 = tpu.memref_slice %arg5[%add3A_115, %dma_wait3A_132] : memref<128x200xi32, #tpu.memory_space<vmem>> -> memref<1x96xi32, #tpu.memory_space<vmem>>
      %dma_wait3A_134 = tpu.memref_squeeze %dma_wait3A_133 : memref<1x96xi32, #tpu.memory_space<vmem>> -> memref<96xi32, #tpu.memory_space<vmem>>
      %dma_wait3A_135 = arith.constant 0 : i32
      %dma_wait3A_136 = arith.constant 0 : i32
      %dma_wait3A_137 = tpu.memref_slice %arg3[%dma_wait3A_135, %dma_wait3A_136] : memref<1000064x64xf32, #tpu.memory_space<hbm>> -> memref<1000064x64xf32, #tpu.memory_space<hbm>>
      tpu.wait_indirect_dma semaphore(%arg9 : memref<!tpu.dma_semaphore, #tpu.memory_space<semaphore_mem>>) src(%dma_wait3A_137 : memref<1000064x64xf32, #tpu.memory_space<hbm>>) dst(%dma_wait3A_131 : memref<96x64xf32, #tpu.memory_space<vmem>>)
      %scan3A_138 = arith.constant 1 : i32
      %scan3A_139 = arith.constant 0 : i32
      %scan3A_140 = arith.constant 200 : i32
      %scan3A_141 = arith.addi %scan3A_139, %scan3A_140 : i32
      %scan3A_142 = arith.constant 1 : i32
      %scan3A_143:4 = scf.for %scan3A_173 = %scan3A_139 to %scan3A_141 step %scan3A_142 iter_args(%scan3A_174 = %broadcast_in_dim3A_3, %scan3A_175 = %broadcast_in_dim3A_3, %scan3A_176 = %broadcast_in_dim3A_3, %scan3A_177 = %broadcast_in_dim3A_3) -> (vector<16xf32>, vector<16xf32>, vector<16xf32>, vector<16xf32>)  : i32 {
        %get3A = arith.constant 0 : i32
        %get3A_178 = arith.constant 0 : i32
        %get3A_179 = tpu.memref_slice %arg6[%scan3A_138, %get3A, %get3A_178] : memref<2x200x64xf32, #tpu.memory_space<vmem>> -> memref<1x200x64xf32, #tpu.memory_space<vmem>>
        %get3A_180 = tpu.memref_squeeze %get3A_179 : memref<1x200x64xf32, #tpu.memory_space<vmem>> -> memref<200x64xf32, #tpu.memory_space<vmem>>
        %get3A_181 = arith.index_cast %scan3A_173 : i32 to index
        %get3A_182 = arith.constant 0 : index
        %get3A_183 = tpu.vector_load %get3A_180[%get3A_181, %get3A_182] {strides = array<i32>} : memref<200x64xf32, #tpu.memory_space<vmem>>, vector<1x16xf32>,
        %get3A_184 = vector.shape_cast %get3A_183 : vector<1x16xf32> to vector<16xf32>
        %add3A_185 = arith.addf %scan3A_174, %get3A_184 : vector<16xf32>
        %get3A_186 = arith.constant 0 : i32
        %get3A_187 = arith.constant 0 : i32
        %get3A_188 = tpu.memref_slice %arg6[%scan3A_138, %get3A_186, %get3A_187] : memref<2x200x64xf32, #tpu.memory_space<vmem>> -> memref<1x200x64xf32, #tpu.memory_space<vmem>>
        %get3A_189 = tpu.memref_squeeze %get3A_188 : memref<1x200x64xf32, #tpu.memory_space<vmem>> -> memref<200x64xf32, #tpu.memory_space<vmem>>
        %get3A_190 = arith.index_cast %scan3A_173 : i32 to index
        %get3A_191 = arith.constant 16 : index
        %get3A_192 = tpu.vector_load %get3A_189[%get3A_190, %get3A_191] {strides = array<i32>} : memref<200x64xf32, #tpu.memory_space<vmem>>, vector<1x16xf32>,
        %get3A_193 = vector.shape_cast %get3A_192 : vector<1x16xf32> to vector<16xf32>
        %add3A_194 = arith.addf %scan3A_175, %get3A_193 : vector<16xf32>
        %get3A_195 = arith.constant 0 : i32
        %get3A_196 = arith.constant 0 : i32
        %get3A_197 = tpu.memref_slice %arg6[%scan3A_138, %get3A_195, %get3A_196] : memref<2x200x64xf32, #tpu.memory_space<vmem>> -> memref<1x200x64xf32, #tpu.memory_space<vmem>>
        %get3A_198 = tpu.memref_squeeze %get3A_197 : memref<1x200x64xf32, #tpu.memory_space<vmem>> -> memref<200x64xf32, #tpu.memory_space<vmem>>
        %get3A_199 = arith.index_cast %scan3A_173 : i32 to index
        %get3A_200 = arith.constant 32 : index
        %get3A_201 = tpu.vector_load %get3A_198[%get3A_199, %get3A_200] {strides = array<i32>} : memref<200x64xf32, #tpu.memory_space<vmem>>, vector<1x16xf32>,
        %get3A_202 = vector.shape_cast %get3A_201 : vector<1x16xf32> to vector<16xf32>
        %add3A_203 = arith.addf %scan3A_176, %get3A_202 : vector<16xf32>
        %get3A_204 = arith.constant 0 : i32
        %get3A_205 = arith.constant 0 : i32
        %get3A_206 = tpu.memref_slice %arg6[%scan3A_138, %get3A_204, %get3A_205] : memref<2x200x64xf32, #tpu.memory_space<vmem>> -> memref<1x200x64xf32, #tpu.memory_space<vmem>>
        %get3A_207 = tpu.memref_squeeze %get3A_206 : memref<1x200x64xf32, #tpu.memory_space<vmem>> -> memref<200x64xf32, #tpu.memory_space<vmem>>
        %get3A_208 = arith.index_cast %scan3A_173 : i32 to index
        %get3A_209 = arith.constant 48 : index
        %get3A_210 = tpu.vector_load %get3A_207[%get3A_208, %get3A_209] {strides = array<i32>} : memref<200x64xf32, #tpu.memory_space<vmem>>, vector<1x16xf32>,
        %get3A_211 = vector.shape_cast %get3A_210 : vector<1x16xf32> to vector<16xf32>
        %add3A_212 = arith.addf %scan3A_177, %get3A_211 : vector<16xf32>
        scf.yield %add3A_185, %add3A_194, %add3A_203, %add3A_212 : vector<16xf32>, vector<16xf32>, vector<16xf32>, vector<16xf32>
      }
      %scan3A_144 = arith.constant 200 : i32
      %swap3A_145 = arith.index_cast %add3A_115 : i32 to index
      %swap3A_146 = arith.constant 0 : index
      %swap3A_147 = tpu.vector_load %arg7[%swap3A_145, %swap3A_146] {strides = array<i32>} : memref<128x64xf32, #tpu.memory_space<vmem>>, vector<1x16xf32>,
      %swap3A_148 = vector.shape_cast %swap3A_147 : vector<1x16xf32> to vector<16xf32>
      %swap3A_149 = vector.shape_cast %scan3A_143#0 : vector<16xf32> to vector<1x16xf32>
      tpu.vector_store %arg7[%swap3A_145, %swap3A_146], %swap3A_149 {strides = array<i32>} : memref<128x64xf32, #tpu.memory_space<vmem>>, vector<1x16xf32>,
      %swap3A_150 = arith.index_cast %add3A_115 : i32 to index
      %swap3A_151 = arith.constant 16 : index
      %swap3A_152 = tpu.vector_load %arg7[%swap3A_150, %swap3A_151] {strides = array<i32>} : memref<128x64xf32, #tpu.memory_space<vmem>>, vector<1x16xf32>,
      %swap3A_153 = vector.shape_cast %swap3A_152 : vector<1x16xf32> to vector<16xf32>
      %swap3A_154 = vector.shape_cast %scan3A_143#1 : vector<16xf32> to vector<1x16xf32>
      tpu.vector_store %arg7[%swap3A_150, %swap3A_151], %swap3A_154 {strides = array<i32>} : memref<128x64xf32, #tpu.memory_space<vmem>>, vector<1x16xf32>,
      %swap3A_155 = arith.index_cast %add3A_115 : i32 to index
      %swap3A_156 = arith.constant 32 : index
      %swap3A_157 = tpu.vector_load %arg7[%swap3A_155, %swap3A_156] {strides = array<i32>} : memref<128x64xf32, #tpu.memory_space<vmem>>, vector<1x16xf32>,
      %swap3A_158 = vector.shape_cast %swap3A_157 : vector<1x16xf32> to vector<16xf32>
      %swap3A_159 = vector.shape_cast %scan3A_143#2 : vector<16xf32> to vector<1x16xf32>
      tpu.vector_store %arg7[%swap3A_155, %swap3A_156], %swap3A_159 {strides = array<i32>} : memref<128x64xf32, #tpu.memory_space<vmem>>, vector<1x16xf32>,
      %swap3A_160 = arith.index_cast %add3A_115 : i32 to index
      %swap3A_161 = arith.constant 48 : index
      %swap3A_162 = tpu.vector_load %arg7[%swap3A_160, %swap3A_161] {strides = array<i32>} : memref<128x64xf32, #tpu.memory_space<vmem>>, vector<1x16xf32>,
      %swap3A_163 = vector.shape_cast %swap3A_162 : vector<1x16xf32> to vector<16xf32>
      %swap3A_164 = vector.shape_cast %scan3A_143#3 : vector<16xf32> to vector<1x16xf32>
      tpu.vector_store %arg7[%swap3A_160, %swap3A_161], %swap3A_164 {strides = array<i32>} : memref<128x64xf32, #tpu.memory_space<vmem>>, vector<1x16xf32>,
      %add3A_165 = arith.constant 2 : i32
      %add3A_166 = arith.addi %add3A_115, %add3A_165 : i32
      %lt3A_167 = arith.constant 128 : i32
      %lt3A_168 = arith.cmpi slt, %add3A_166, %lt3A_167 : i32
      %convert_element_type3A_169 = arith.extui %lt3A_168 : i1 to i32
      %cond3A_170 = arith.constant 0 : i32
      %cond3A_171 = arith.cmpi ne, %convert_element_type3A_169, %cond3A_170 : i32
      scf.if %cond3A_171 {
        %add3A_173 = arith.constant 2 : i32
        %add3A_174 = arith.addi %add3A_115, %add3A_173 : i32
        %dma_start3A_175 = arith.constant 1 : i32
        %dma_start3A_176 = arith.constant 0 : i32
        %dma_start3A_177 = arith.constant 0 : i32
        %dma_start3A_178 = tpu.memref_slice %arg6[%dma_start3A_175, %dma_start3A_176, %dma_start3A_177] : memref<2x200x64xf32, #tpu.memory_space<vmem>> -> memref<1x104x64xf32, #tpu.memory_space<vmem>>
        %dma_start3A_179 = tpu.memref_squeeze %dma_start3A_178 : memref<1x104x64xf32, #tpu.memory_space<vmem>> -> memref<104x64xf32, #tpu.memory_space<vmem>>
        %dma_start3A_180 = arith.constant 0 : i32
        %dma_start3A_181 = tpu.memref_slice %arg5[%add3A_174, %dma_start3A_180] : memref<128x200xi32, #tpu.memory_space<vmem>> -> memref<1x104xi32, #tpu.memory_space<vmem>>
        %dma_start3A_182 = tpu.memref_squeeze %dma_start3A_181 : memref<1x104xi32, #tpu.memory_space<vmem>> -> memref<104xi32, #tpu.memory_space<vmem>>
        %dma_start3A_183 = arith.constant 0 : i32
        %dma_start3A_184 = arith.constant 0 : i32
        %dma_start3A_185 = tpu.memref_slice %arg3[%dma_start3A_183, %dma_start3A_184] : memref<1000064x64xf32, #tpu.memory_space<hbm>> -> memref<1000064x64xf32, #tpu.memory_space<hbm>>
        tpu.enqueue_indirect_dma source(%dma_start3A_185 : memref<1000064x64xf32, #tpu.memory_space<hbm>>) target(%dma_start3A_179 : memref<104x64xf32, #tpu.memory_space<vmem>>) offsets(%dma_start3A_182 : memref<104xi32, #tpu.memory_space<vmem>>) semaphore(%arg9 : memref<!tpu.dma_semaphore, #tpu.memory_space<semaphore_mem>>)
        %dma_start3A_186 = arith.constant 1 : i32
        %dma_start3A_187 = arith.constant 104 : i32
        %dma_start3A_188 = arith.constant 0 : i32
        %dma_start3A_189 = tpu.memref_slice %arg6[%dma_start3A_186, %dma_start3A_187, %dma_start3A_188] : memref<2x200x64xf32, #tpu.memory_space<vmem>> -> memref<1x96x64xf32, #tpu.memory_space<vmem>>
        %dma_start3A_190 = tpu.memref_squeeze %dma_start3A_189 : memref<1x96x64xf32, #tpu.memory_space<vmem>> -> memref<96x64xf32, #tpu.memory_space<vmem>>
        %dma_start3A_191 = arith.constant 104 : i32
        %dma_start3A_192 = tpu.memref_slice %arg5[%add3A_174, %dma_start3A_191] : memref<128x200xi32, #tpu.memory_space<vmem>> -> memref<1x96xi32, #tpu.memory_space<vmem>>
        %dma_start3A_193 = tpu.memref_squeeze %dma_start3A_192 : memref<1x96xi32, #tpu.memory_space<vmem>> -> memref<96xi32, #tpu.memory_space<vmem>>
        %dma_start3A_194 = arith.constant 0 : i32
        %dma_start3A_195 = arith.constant 0 : i32
        %dma_start3A_196 = tpu.memref_slice %arg3[%dma_start3A_194, %dma_start3A_195] : memref<1000064x64xf32, #tpu.memory_space<hbm>> -> memref<1000064x64xf32, #tpu.memory_space<hbm>>
        tpu.enqueue_indirect_dma source(%dma_start3A_196 : memref<1000064x64xf32, #tpu.memory_space<hbm>>) target(%dma_start3A_190 : memref<96x64xf32, #tpu.memory_space<vmem>>) offsets(%dma_start3A_193 : memref<96xi32, #tpu.memory_space<vmem>>) semaphore(%arg9 : memref<!tpu.dma_semaphore, #tpu.memory_space<semaphore_mem>>)
      } else {
      }
      %scan3A_172 = arith.constant 0 : i32
      scf.yield %scan3A_172 : i32
    }
    %scan3A_56 = arith.constant 64 : i32
    "tpu.region"() ({
      %run_scoped3A = tpu.sem_alloc : memref<!tpu.dma_semaphore, #tpu.memory_space<semaphore_mem>>
      %dma_start3A_57 = arith.constant 0 : i32
      %dma_start3A_58 = tpu.memref_slice %arg4[%mul3A_2, %dma_start3A_57] : memref<4096x64xf32, #tpu.memory_space<hbm>> -> memref<128x64xf32, #tpu.memory_space<hbm>>
      %dma_start3A_59 = arith.constant 0 : i32
      %dma_start3A_60 = tpu.memref_slice %arg4[%mul3A_2, %dma_start3A_59] : memref<4096x64xf32, #tpu.memory_space<hbm>> -> memref<128x64xf32, #tpu.memory_space<hbm>>
      tpu.enqueue_dma source(%arg7 : memref<128x64xf32, #tpu.memory_space<vmem>>) target(%dma_start3A_60 : memref<128x64xf32, #tpu.memory_space<hbm>>) target_semaphore(%run_scoped3A : memref<!tpu.dma_semaphore, #tpu.memory_space<semaphore_mem>>)
      %dma_wait3A = arith.constant 0 : i32
      %dma_wait3A_61 = tpu.memref_slice %arg4[%mul3A_2, %dma_wait3A] : memref<4096x64xf32, #tpu.memory_space<hbm>> -> memref<128x64xf32, #tpu.memory_space<hbm>>
      %dma_wait3A_62 = arith.constant 0 : i32
      %dma_wait3A_63 = tpu.memref_slice %arg4[%mul3A_2, %dma_wait3A_62] : memref<4096x64xf32, #tpu.memory_space<hbm>> -> memref<128x64xf32, #tpu.memory_space<hbm>>
      tpu.wait_dma2 semaphore(%run_scoped3A : memref<!tpu.dma_semaphore, #tpu.memory_space<semaphore_mem>>) src(%arg7 : memref<128x64xf32, #tpu.memory_space<vmem>>) dst(%dma_wait3A_63 : memref<128x64xf32, #tpu.memory_space<hbm>>)
      tpu.yield
    }) : () -> ()
    return
  }
}

module attributes {stable_mosaic.version = 14 : i64} {
  func.func @_retile_body(%arg0: i32, %arg1: memref<64x11904xf32, #tpu.memory_space<vmem>>, %arg2: memref<64x11904xf32, #tpu.memory_space<vmem>>, %arg3: memref<11904x128xf32, #tpu.memory_space<vmem>>) attributes {dimension_semantics = [#tpu.dimension_semantics<arbitrary>], iteration_bounds = array<i64: 43>, scalar_prefetch = 0 : i64, scratch_operands = 0 : i64, tpu.core_type = #tpu.core_type<tc>, window_params = [{transform_indices = @transform_0, window_bounds = array<i64: 64, 11904>}, {transform_indices = @transform_1, window_bounds = array<i64: 64, 11904>}, {transform_indices = @transform_2, window_bounds = array<i64: 11904, 128>}]} {
    %get3A = arith.constant 0 : index
    %get3A_0 = arith.constant 0 : index
    %get3A_1 = vector.load %arg1[%get3A, %get3A_0] : memref<64x11904xf32, #tpu.memory_space<vmem>>, vector<64x11904xf32>
    %lt3A = arith.constant 42 : i32
    %lt3A_2 = arith.cmpi slt, %arg0, %lt3A : i32
    %convert_element_type3A = arith.extui %lt3A_2 : i1 to i32
    %cond3A = arith.constant 5.000000e-03 : f32
    %cond3A_3 = arith.constant 0 : i32
    %cond3A_4 = arith.cmpi ne, %convert_element_type3A, %cond3A_3 : i32
    scf.if %cond3A_4 {
      %get3A_10 = arith.constant 0 : index
      %get3A_11 = arith.constant 0 : index
      %get3A_12 = vector.load %arg2[%get3A_10, %get3A_11] : memref<64x11904xf32, #tpu.memory_space<vmem>>, vector<64x11904xf32>
      %concatenate3A = tpu.concatenate %get3A_1, %get3A_12 in 0 : vector<64x11904xf32>, vector<64x11904xf32> -> vector<128x11904xf32>
      %transpose3A = tpu.transpose %concatenate3A, [1, 0] : vector<128x11904xf32> -> vector<11904x128xf32>
      %mul3A = vector.broadcast %cond3A : f32 to vector<11904x128xf32>
      %mul3A_13 = arith.mulf %transpose3A, %mul3A : vector<11904x128xf32>
      %swap3A = arith.constant 0 : index
      %swap3A_14 = arith.constant 0 : index
      %swap3A_15 = vector.load %arg3[%swap3A, %swap3A_14] : memref<11904x128xf32, #tpu.memory_space<vmem>>, vector<11904x128xf32>
      tpu.vector_store %arg3[%swap3A, %swap3A_14], %mul3A_13 {strides = array<i32>} : memref<11904x128xf32, #tpu.memory_space<vmem>>, vector<11904x128xf32>,
    } else {
    }
    %eq3A = arith.constant 42 : i32
    %eq3A_5 = arith.cmpi eq, %arg0, %eq3A : i32
    %convert_element_type3A_6 = arith.extui %eq3A_5 : i1 to i32
    %cond3A_7 = arith.constant 5.000000e-03 : f32
    %cond3A_8 = arith.constant 0 : i32
    %cond3A_9 = arith.cmpi ne, %convert_element_type3A_6, %cond3A_8 : i32
    scf.if %cond3A_9 {
      %slice3A = vector.extract_strided_slice %get3A_1 {offsets = [0, 32], sizes = [64, 11872], strides = [1, 1]} : vector<64x11904xf32> to vector<64x11872xf32>
      %slice3A_10 = vector.extract_strided_slice %get3A_1 {offsets = [0, 0], sizes = [64, 32], strides = [1, 1]} : vector<64x11904xf32> to vector<64x32xf32>
      %concatenate3A = tpu.concatenate %slice3A, %slice3A_10 in 1 : vector<64x11872xf32>, vector<64x32xf32> -> vector<64x11904xf32>
      %concatenate3A_11 = tpu.concatenate %get3A_1, %concatenate3A in 0 : vector<64x11904xf32>, vector<64x11904xf32> -> vector<128x11904xf32>
      %transpose3A = tpu.transpose %concatenate3A_11, [1, 0] : vector<128x11904xf32> -> vector<11904x128xf32>
      %mul3A = vector.broadcast %cond3A_7 : f32 to vector<11904x128xf32>
      %mul3A_12 = arith.mulf %transpose3A, %mul3A : vector<11904x128xf32>
      %swap3A = arith.constant 0 : index
      %swap3A_13 = arith.constant 0 : index
      %swap3A_14 = vector.load %arg3[%swap3A, %swap3A_13] : memref<11904x128xf32, #tpu.memory_space<vmem>>, vector<11904x128xf32>
      tpu.vector_store %arg3[%swap3A, %swap3A_13], %mul3A_12 {strides = array<i32>} : memref<11904x128xf32, #tpu.memory_space<vmem>>, vector<11904x128xf32>,
    } else {
    }
    return
  }
  func.func @transform_0(%arg0: i32) -> (i32, i32) {
    %lt3A = arith.constant 42 : i32
    %lt3A_0 = arith.cmpi slt, %arg0, %lt3A : i32
    %jit3A = arith.constant 84 : i32
    %select_n3A = arith.select %lt3A_0, %arg0, %jit3A : i32
    %c0_i32 = arith.constant 0 : i32
    %c0_i32_1 = arith.constant 0 : i32
    return %c0_i32, %select_n3A : i32, i32
  }
  func.func @transform_1(%arg0: i32) -> (i32, i32) {
    %lt3A = arith.constant 42 : i32
    %lt3A_0 = arith.cmpi slt, %arg0, %lt3A : i32
    %add3A = arith.constant 42 : i32
    %add3A_1 = arith.addi %arg0, %add3A : i32
    %jit3A = arith.constant 84 : i32
    %select_n3A = arith.select %lt3A_0, %add3A_1, %jit3A : i32
    %c0_i32 = arith.constant 0 : i32
    %c0_i32_2 = arith.constant 0 : i32
    return %c0_i32, %select_n3A : i32, i32
  }
  func.func @transform_2(%arg0: i32) -> (i32, i32) {
    %c0_i32 = arith.constant 0 : i32
    %c0_i32_0 = arith.constant 0 : i32
    return %arg0, %c0_i32 : i32, i32
  }
}

module attributes {stable_mosaic.version = 14 : i64} {
  func.func @_head_body(%arg0: i32, %arg1: memref<512x64xf32, #tpu.memory_space<vmem>>, %arg2: memref<64x100xf32, #tpu.memory_space<vmem>>, %arg3: memref<1x100xf32, #tpu.memory_space<vmem>>, %arg4: memref<512x100xf32, #tpu.memory_space<vmem>>) attributes {dimension_semantics = [#tpu.dimension_semantics<arbitrary>], iteration_bounds = array<i64: 8>, scalar_prefetch = 0 : i64, scratch_operands = 0 : i64, tpu.core_type = #tpu.core_type<tc>, window_params = [{transform_indices = @transform_0, window_bounds = array<i64: 512, 64>}, {pipeline_mode = #tpu.pipeline_mode<synchronous>, transform_indices = @transform_1, window_bounds = array<i64: 64, 100>}, {pipeline_mode = #tpu.pipeline_mode<synchronous>, transform_indices = @transform_2, window_bounds = array<i64: 1, 100>}, {transform_indices = @transform_3, window_bounds = array<i64: 512, 100>}]} {
    %get3A = arith.constant 0 : index
    %get3A_0 = arith.constant 0 : index
    %get3A_1 = vector.load %arg1[%get3A, %get3A_0] : memref<512x64xf32, #tpu.memory_space<vmem>>, vector<512x64xf32>
    %get3A_2 = arith.constant 0 : index
    %get3A_3 = arith.constant 0 : index
    %get3A_4 = vector.load %arg2[%get3A_2, %get3A_3] : memref<64x100xf32, #tpu.memory_space<vmem>>, vector<64x100xf32>
    %dot_general3A = arith.constant dense<0.000000e+00> : vector<512x100xf32>
    %dot_general3A_5 = tpu.matmul %get3A_1, %get3A_4, %dot_general3A {dimension_numbers = #tpu.dot_dimension_numbers<[1], [0], [0], [1], [0, 0, 1, 1], [], []>, transpose_lhs_hint = false} : vector<512x64xf32>, vector<64x100xf32>, vector<512x100xf32> -> vector<512x100xf32>
    %get3A_6 = arith.constant 0 : index
    %get3A_7 = arith.constant 0 : index
    %get3A_8 = vector.load %arg3[%get3A_6, %get3A_7] : memref<1x100xf32, #tpu.memory_space<vmem>>, vector<1x100xf32>
    %add3A = vector.broadcast %get3A_8 : vector<1x100xf32> to vector<512x100xf32>
    %add3A_9 = arith.addf %dot_general3A_5, %add3A : vector<512x100xf32>
    %swap3A = arith.constant 0 : index
    %swap3A_10 = arith.constant 0 : index
    %swap3A_11 = vector.load %arg4[%swap3A, %swap3A_10] : memref<512x100xf32, #tpu.memory_space<vmem>>, vector<512x100xf32>
    tpu.vector_store %arg4[%swap3A, %swap3A_10], %add3A_9 {strides = array<i32>} : memref<512x100xf32, #tpu.memory_space<vmem>>, vector<512x100xf32>,
    return
  }
  func.func @transform_0(%arg0: i32) -> (i32, i32) {
    %c0_i32 = arith.constant 0 : i32
    %c0_i32_0 = arith.constant 0 : i32
    return %arg0, %c0_i32 : i32, i32
  }
  func.func @transform_1(%arg0: i32) -> (i32, i32) {
    %c0_i32 = arith.constant 0 : i32
    %c0_i32_0 = arith.constant 0 : i32
    %c0_i32_1 = arith.constant 0 : i32
    return %c0_i32, %c0_i32_0 : i32, i32
  }
  func.func @transform_2(%arg0: i32) -> (i32, i32) {
    %c0_i32 = arith.constant 0 : i32
    %c0_i32_0 = arith.constant 0 : i32
    %c0_i32_1 = arith.constant 0 : i32
    return %c0_i32, %c0_i32_0 : i32, i32
  }
  func.func @transform_3(%arg0: i32) -> (i32, i32) {
    %c0_i32 = arith.constant 0 : i32
    %c0_i32_0 = arith.constant 0 : i32
    return %arg0, %c0_i32 : i32, i32
  }
}

</mosaic_0001>

<sc_bundles>
// kernel: kernel.5.cloned.1.call-start
scs
__scs_entry_jumppad:
0x0: {  	(pc) =	sbr.rel $0x88, $3  }
0x1: {  	(tag) =	ssettag $0x0;
	lr =	simm.s32 $0x1  }
0x2: {  	[smem:$0x3F9D] =	sst lr;
	_ =	strace $0xD0000000  }
0x3: {  	_ = 	snop  }
0x4: {  	_ = 	snop  }
0x5: {  	_ = 	snop  }
0x6: {  	_ = 	snop  }
0x7: {  	_ = 	snop  }
__scs_overlays_trampoline_lowered:
0x8: {  	[smem:$0x3FAC] =	sst s0  }
0x9: {  	[smem:$0x3FAD] =	sst s1  }
0xa: {  	[smem:$0x3FAE] =	sst s2  }
0xb: {  	[smem:$0x3FAF] =	sst s3  }
0xc: {  	[smem:$0x3FB0] =	sst s4  }
0xd: {  	[smem:$0x3FB1] =	sst s5  }
0xe: {  	[smem:$0x3FB2] =	sst s6  }
0xf: {  	[smem:$0x3FB3] =	sst s7  }
0x10: {  	[smem:$0x3FB4] =	sst s8  }
0x11: {  	[smem:$0x3FB5] =	sst s9;
	s0 =	simm.s32 @!p0 $0x0  }
0x12: {  	s1 =	sld [smem:$0x3F9B];
	s0 =	simm.s32 @p0 $0x1  }
0x13: {  	[smem:$0x3FB6] =	sst s0;
	s0 =	simm.s32 @!p1 $0x0  }
0x14: {  	s2 =	sld [smem:$0x3F9A];
	s0 =	simm.s32 @p1 $0x1  }
0x15: {  	[smem:$0x3FB7] =	sst s0;
	s0 =	simm.s32 @!p2 $0x0  }
0x16: {  	s3 =	sld [smem:$0x3FDB];
	s0 =	simm.s32 @p2 $0x1  }
0x17: {  	s4 =	simm.s32 $0x1BF5;
	[smem:$0x3FB9] =	sst s0  }
0x18: {  	s0 =	sld [smem:$0x3F9C];
	_ =	swait.ge [sflag:s4], $0x0  }
0x19: {  	s7 =	sld [smem:$0x3F9D]  }
0x1a: {  	s8 =	sadd.s32 $0xFFFFE003, lr  }
0x1b: {  	s9 =	sadd.s32 $0xFFFFFEF7, lr;
	s5 =	simm.s32 $0xFFFFFFFF;
	p2 =	slt.u32 s8, $0xFFFFF086  }
0x1c: {  	p1 =	slt.u32 s9, $0xF7A;
	s5 =	simm.s32 @!p2 $0x0  }
0x1d: {  	s5 =	simm.s32 @p1 $0x1;
	p0 =	seq.s32 s7, s2  }
0x1e: {  	s7 =	smul.u32 @!p0 $0xF7A, s2;
	p2 =	seq.s32 @!p0 s5, $0x0  }
0x1f: {  	s9 =	smul.u32 $0xF7A, s1;
	s8 =	simm.s32 @!p0 $0x1BF5;
	p2 =	por !p2, p0  }
0x20: {  	[sflag:s8] =	ssyncset.s32 @!p0 $0xFFFFF086;
	s6 =	sadd.s32 @!p0 s3, s7;
	s7 =	simm.s32 @!p0 $0x108  }
0x21: {  	s3 =	sadd.s32 s3, s9;
	s6 =	sadd.s32 @!p0 $0x88, s6;
	s7 =	simm.s32 @p2 $0x1082  }
0x22: {  	[simem:s7], [sflag:s8] =	dma.local @!p0 [hbm:s6], $0xF7A  }
0x23: {  	s9 =	sor.u32 $0xD0000000, s2;
	s6 =	simm.s32 $0x108;
	_ =	swait.ge @!p0 [sflag:s8], $0x0  }
0x24: {  	s3 =	sadd.s32 $0x88, s3;
	s6 =	simm.s32 @!p1 $0x1082;
	[sflag:s4] =	ssyncset.s32 $0xFFFFF086  }
0x25: {  	[simem:s6], [sflag:s4] =	dma.local [hbm:s3], $0xF7A  }
0x26: {  	[smem:$0x3F9D] =	sst s1;
	(tag) =	ssettag s2;
	_ =	strace s9  }
0x27: {  	s1 =	sld [smem:$0x3FAD]  }
0x28: {  	s2 =	sld [smem:$0x3FAE]  }
0x29: {  	s4 =	sld [smem:$0x3FB0]  }
0x2a: {  	p0 =	seq.s32 s5, $0x0;
	s5 =	sld [smem:$0x3FB1]  }
0x2b: {  	s6 =	sld [smem:$0x3FB2]  }
0x2c: {  	s7 =	sld [smem:$0x3FB3]  }
0x2d: {  	s3 =	simm.s32 $0x108;
	s8 =	sld [smem:$0x3FB4]  }
0x2e: {  	s3 =	simm.s32 @!p0 $0x1082;
	s9 =	sld [smem:$0x3FB5]  }
0x2f: {  	lr =	sadd.s32 s0, s3;
	s0 =	sld [smem:$0x3FAC]  }
0x30: {  	s3 =	sld [smem:$0x3FAF]  }
0x31: {  	[smem:$0x3FB8] =	sst s10  }
0x32: {  	s10 =	sld [smem:$0x3FB6];
	_ =	sdelay $0x3  }
0x33: {  	p0 =	seq.s32 s10, $0x1;
	s10 =	sld [smem:$0x3FB8];
	_ =	sdelay $0x3  }
0x34: {  	[smem:$0x3FB8] =	sst s10  }
0x35: {  	s10 =	sld [smem:$0x3FB7];
	_ =	sdelay $0x3  }
0x36: {  	p1 =	seq.s32 s10, $0x1;
	s10 =	sld [smem:$0x3FB8];
	_ =	sdelay $0x3  }
0x37: {  	[smem:$0x3FB8] =	sst s10  }
0x38: {  	s10 =	sld [smem:$0x3FB9]  }
0x39: {  	_ = 	snop;
	(pc) =	sbr.ind lr, $3  }
0x3a: {  	_ = 	snop  }
0x3b: {  	_ = 	snop  }
0x3c: {  	p2 =	seq.s32 s10, $0x1;
	s10 =	sld [smem:$0x3FB8]  }
0x3d: {  	_ =	shalt  }
0x3e: {  	_ =	shalt  }
0x3f: {  	_ =	shalt  }
0x40: {  	_ =	shalt  }
0x41: {  	_ =	shalt  }
0x42: {  	_ =	shalt  }
0x43: {  	_ =	shalt  }
0x44: {  	_ =	shalt  }
0x45: {  	_ =	shalt  }
0x46: {  	_ =	shalt  }
0x47: {  	_ =	shalt  }
0x48: {  	_ =	shalt  }
0x49: {  	_ =	shalt  }
0x4a: {  	_ =	shalt  }
0x4b: {  	_ =	shalt  }
0x4c: {  	_ =	shalt  }
0x4d: {  	_ =	shalt  }
0x4e: {  	_ =	shalt  }
0x4f: {  	_ =	shalt  }
0x50: {  	_ =	shalt  }
0x51: {  	_ =	shalt  }
0x52: {  	_ =	shalt  }
0x53: {  	_ =	shalt  }
0x54: {  	_ =	shalt  }
0x55: {  	_ =	shalt  }
0x56: {  	_ =	shalt  }
0x57: {  	_ =	shalt  }
0x58: {  	_ =	shalt  }
0x59: {  	_ =	shalt  }
0x5a: {  	_ =	shalt  }
0x5b: {  	_ =	shalt  }
0x5c: {  	_ =	shalt  }
0x5d: {  	_ =	shalt  }
0x5e: {  	_ =	shalt  }
0x5f: {  	_ =	shalt  }
0x60: {  	_ =	shalt  }
0x61: {  	_ =	shalt  }
0x62: {  	_ =	shalt  }
0x63: {  	_ =	shalt  }
0x64: {  	_ =	shalt  }
0x65: {  	_ =	shalt  }
0x66: {  	_ =	shalt  }
0x67: {  	_ =	shalt  }
0x68: {  	_ =	shalt  }
0x69: {  	_ =	shalt  }
0x6a: {  	_ =	shalt  }
0x6b: {  	_ =	shalt  }
0x6c: {  	_ =	shalt  }
0x6d: {  	_ =	shalt  }
0x6e: {  	_ =	shalt  }
0x6f: {  	_ =	shalt  }
0x70: {  	_ =	shalt  }
0x71: {  	_ =	shalt  }
0x72: {  	_ =	shalt  }
0x73: {  	_ =	shalt  }
0x74: {  	_ =	shalt  }
0x75: {  	_ =	shalt  }
0x76: {  	_ =	shalt  }
0x77: {  	_ =	shalt  }
0x78: {  	_ =	shalt  }
0x79: {  	_ =	shalt  }
0x7a: {  	_ =	shalt  }
0x7b: {  	_ =	shalt  }
0x7c: {  	_ =	shalt  }
0x7d: {  	_ =	shalt  }
0x7e: {  	_ =	shalt  }
0x7f: {  	_ =	shalt  }
0x80: {  	_ =	shalt  }
0x81: {  	_ =	shalt  }
0x82: {  	_ =	shalt  }
0x83: {  	_ =	shalt  }
0x84: {  	_ =	shalt  }
0x85: {  	_ =	shalt  }
0x86: {  	_ =	shalt  }
0x87: {  	_ =	shalt  }
.Lfunc_end0:
.L_simem_size_0:
called_computation_lowered:
.L_overlay_start_0:
0x88: {  	s2 =	sld [smem:$0x3FD9]  }
0x89: {  	s3 =	sld [smem:$0x3FFE];
	_ =	sdelay $0x1  }
0x8a: {  	s1 =	srdreg.scid  }
0x8b: {  	s0 =	sand.u32 $0x1, s1  }
0x8c: {  	s17 =	sshll.u32 s0, $0xA;
	s2 =	sadd.s32 s3, s2  }
0x8d: {  	s2 =	sadd.s32 s2, s17  }
0x8e: {  	[smem:$0x3FC4] =	sst s2  }
0x8f: {  	_ = 	snop  }
0x90: {  	s2 =	sld [smem:$0x3FD0];
	(tm) =	ssettm $0x1  }
0x91: {  	s18 =	sld [smem:$0x3FFB];
	_ =	sdelay $0x3  }
0x92: {  	_ =	strace s18  }
0x93: {  	s3 =	sld [smem:$0x3FFC];
	_ =	sdelay $0x3  }
0x94: {  	_ =	strace s3  }
0x95: {  	s3 =	sld [smem:$0x3FFD];
	_ =	sdelay $0x3  }
0x96: {  	_ =	strace s3  }
0x97: {  	_ =	strace $0x8FFFFFFF  }
0x98: {  	s19 =	sld [smem:$0x3FDB];
	_ =	sdelay $0x1  }
0x99: {  	s4 =	simm.s32 $_scs_section_size  }
0x9a: {  	s5 =	simm.s32 $_size__tile_overlayer_lowered;
	s6 =	simm.s32 $_tile_overlayer_lowered  }
0x9b: {  	s22 =	simm.s32 $0x1BFF;
	s21 =	sshll.u32 s6, $0x1;
	s3 =	sadd.s32 s4, s19  }
0x9c: {  	s7 =	simm.s32 $0x0;
	s20 =	sshll.u32 s5, $0x1;
	s5 =	sadd.s32 s21, s3  }
0x9d: {  	[timem:s7], [sflag:s22] =	dma.local [hbm:s5], s20  }
0x9e: {  	_ =	swait.ge [sflag:s22], s20  }
0x9f: {  	s4 =	ssub.s32 $0x0, s20;
	[sflag:s22] =	ssyncset.done $0x0  }
0xa0: {  	[sflag:s22] =	ssyncadd.s32 s4;
	_ =	sdelay $0x1  }
0xa1: {  	s23 =	simm.s32 $0x1B8B  }
0xa2: {  	_ =	swait.ge [sflag:s23], $0x1  }
0xa3: {  	[sflag:s23] =	ssyncset.done $0x0  }
0xa4: {  	s25 =	simm.s32 $0x1B8E;
	s24 =	sld [smem:$0x3FFE];
	[sflag:s23] =	ssyncadd.s32 $0xFFFFFFFF  }
0xa5: {  	s26 =	simm.s32 $execute0_lowered;
	[smem:$0x3FD2] =	sst s25  }
0xa6: {  	s5 =	sshll.u32 s26, $0x1;
	_ =	strace $0x80000046;
	[dreg:$0x1] =	wrdreg $0xFFFFFFFF  }
0xa7: {  	s28 =	simm.s32 $_size_execute0_lowered;
	s3 =	sadd.s32 s3, s5;
	[dreg:$0x0] =	wrdreg $0x0  }
0xa8: {  	s5 =	sshll.u32 s28, $0x1;
	[dreg:$0x2] =	wrdreg s3  }
0xa9: {  	[dreg:$0x3] =	wrdreg s5  }
0xaa: {  	[dreg:$0x4] =	wrdreg $0xC0  }
0xab: {  	_ =	task [dreg:s7], $0x5FFFF  }
0xac: {  	[dreg:$0x1] =	wrdreg $0xFFFFFFFF  }
0xad: {  	[dreg:$0x0] =	wrdreg $0x60  }
0xae: {  	[dreg:$0x2] =	wrdreg s24  }
0xaf: {  	[dreg:$0x3] =	wrdreg s2  }
0xb0: {  	[dreg:$0x4] =	wrdreg $0x9  }
0xb1: {  	_ =	task.clear_ibuf [dreg:s7], $0x5FFFF;
	_ =	strace $0x90000046  }
0xb2: {  	s29 =	simm.s32 $0x9;
	_ =	strace $0x80000048  }
0xb3: {  	_ =	swait.ge [sflag:s29], $0x1  }
0xb4: {  	[sflag:s29] =	ssyncadd.s32 $0xFFFFFFFF  }
0xb5: {  	_ =	strace $0x90000048  }
0xb6: {  	_ =	sfence  }
0xb7: {  	s30 =	sld [smem:$0x0];
	_ =	sdelay $0x2  }
0xb8: {  	s31 =	sshll.u32 s1, $0xD;
	s1 =	sshrl.u32 s1, $0x2  }
0xb9: {  	s3 =	sand.u32 $0x4000, s31;
	s1 =	sadd.s32 s1, s30  }
0xba: {  	s0 =	sor.u32 s3, s0;
	s1 =	sshll.u32 s1, $0x11  }
0xbb: {  	s0 =	sor.u32 s1, s0  }
0xbc: {  	s0 =	sadd.s32 $0x8F2B, s0  }
0xbd: {  	[sflag:s0] =	ssyncadd.remote.s32 $0x1  }
0xbe: {  	_ =	sfence.sel $0xFFFF  }
0xbf: {  	[dreg:$0x0] =	wrdreg $0xFFFFFFFF;
	(pc) =	sbr.abs _section_cstart, $3  }
0xc0: {  	[dreg:$0x1] =	wrdreg $0xFFFFFFFF  }
0xc1: {  	_ =	task.clear_ibuf [dreg:s7], $0x2FFFF;
	_ =	strace $0x9FFFFFFF  }
0xc2: {  	(tm) =	ssettm $0x7FFFFFFF  }
0xc3: {  	_ =	shalt  }
tec
execute0_lowered:
.L_overlay_start_1:
0x0: {  	(tag) =	ssettag $0x1  }
0x1: {  	s1 =	srdreg.scid  }
0x2: {  	s3 =	rddreg [dreg:$0x0];
	s0 =	stileid.u32  }
0x3: {  	s5 =	rddreg [dreg:$0x1];
	s2 =	simm.s32 $0x0;
	s9 =	simm.s32 $0x6400  }
0x4: {  	s10 =	simm.s32 $0x60;
	s11 =	simm.s32 $0x7E00;
	s12 =	simm.s32 $0xC8  }
0x5: {  	s13 =	simm.s32 $0x9600;
	s14 =	simm.s32 $0x130;
	s15 =	simm.s32 $0xB000  }
0x6: {  	s16 =	simm.s32 $0x1;
	s17 =	simm.s32 $0x2;
	s18 =	simm.s32 $0xC800  }
0x7: {  	s19 =	simm.s32 $0x0;
	s4 =	sand.u32 $0x1, s1;
	s1 =	rddreg [dreg:$0x2]  }
0x8: {  	s6 =	sshll.u32 s0, $0x8;
	[smem:$0x7FF] =	sst s2;
	s7 =	sshll.u32 s4, $0x7  }
.Ltmp0:
0x9: {  	s4 =	ssub.s32 $0x2, s4;
	s6 =	sor.u32 s7, s6;
	(pc) =	sbr.rel .LBB2_1-.Ltmp0, $4  }
0xa: {  	s8 =	sshrl.u32 s4, $0x1;
	s7 =	smul.u32 $0x19, s6;
	s6 =	sshll.u32 s6, $0x3  }
0xb: {  	_ =	strace $0x80000047;
	s8 =	ssub.s32 s4, s8;
	s5 =	sadd.s32 s5, s6  }
0xc: {  	s6 =	smax.u32 s8, $0x1;
	s8 =	simm.s32 $0x68;
	s7 =	sadd.s32 s7, s3  }
0xd: {  	s3 =	sadd.s32 $0x19800, s3;
	s4 =	sadd.s32 $0x800, s7;
	s7 =	simm.s32 $0x3  }
.LBB2_8:
0xe: {  	s19 =	sadd.s32 $0x1, s19  }
0xf: {  	p0 =	sne.s32 s19, s6  }
.Ltmp1:
0x10: {  	_ = 	snop;
	(pc) =	sbr.rel @!p0 .LBB2_9-.Ltmp1, $4  }
0x11: {  	[hbm4b:s5+s2] =	stream.linear.scatter [tilespmem:s18], [sflag:$0x3], $0x2000, $0x38;
	[tilespmem:$0xE800] =	vst v63  }
0x12: {  	_ =	swait.ge [sflag:s7], $0x2000  }
0x13: {  	[sflag:s7] =	ssyncset.done $0x0  }
0x14: {  	[sflag:s7] =	ssyncadd.s32 $0xFFFFE000  }
.LBB2_1:
0x15: {  	[tilespmem:s2], [sflag:$0x3] =	stream.linear.gather [hbm4b:s4+s2], $0x6400, $0x38;
	[tilespmem:$0xE800] =	vst v63  }
0x16: {  	_ =	swait.ge [sflag:s7], $0x6400  }
0x17: {  	[sflag:s7] =	ssyncset.done $0x0  }
0x18: {  	[sflag:s7] =	ssyncadd.s32 $0xFFFF9C00  }
0x19: {  	[tilespmem:s9], [sflag:$0x1] =	stream.indirect.gather [hbm4b:s3+s8], $0x40, s2, s8, $0xb8;
	[tilespmem:$0xE800] =	vst v63  }
0x1a: {  	_ = 	snop  }
0x1b: {  	[tilespmem:s11], [sflag:$0x1] =	stream.indirect.gather [hbm4b:s3+s10], $0x40, s8, s10, $0xb8;
	[tilespmem:$0xE800] =	vst v63  }
0x1c: {  	_ = 	snop  }
0x1d: {  	[tilespmem:s13], [sflag:$0x2] =	stream.indirect.gather [hbm4b:s3+s8], $0x40, s12, s8, $0xb8;
	[tilespmem:$0xE800] =	vst v63  }
0x1e: {  	s20 =	simm.s32 $0x0  }
0x1f: {  	[tilespmem:s15], [sflag:$0x2] =	stream.indirect.gather [hbm4b:s3+s10], $0x40, s14, s10, $0xb8;
	[tilespmem:$0xE800] =	vst v63  }
.LBB2_2:
0x20: {  	_ =	swait.ge [sflag:s16], $0x1A00  }
0x21: {  	[sflag:s16] =	ssyncset.done $0x0  }
0x22: {  	[sflag:s16] =	ssyncadd.s32 $0xFFFFE600  }
0x23: {  	_ =	swait.ge [sflag:s16], $0x1800  }
0x24: {  	[sflag:s16] =	ssyncset.done $0x0  }
0x25: {  	s22 =	simm.s32 $0x0;
	[sflag:s16] =	ssyncadd.s32 $0xFFFFE800  }
0x26: {  	v1 =	vld [tilespmem:s22+$0x6430]  }
0x27: {  	v3 =	vld [tilespmem:s22+$0x6400]  }
0x28: {  	v0 =	vimm.f32 $0.0e+00;
	v4 =	vld [tilespmem:s22+$0x6410]  }
0x29: {  	s21 =	simm.s32 $0x100;
	v7 =	vimm.f32 $0.0e+00;
	v6 =	vimm.f32 $0.0e+00;
	v5 =	vimm.f32 $0.0e+00;
	v2 =	vld [tilespmem:s22+$0x6420]  }
.LBB2_3:
0x2a: {  	p0 =	sne.s32 s21, $0xC700  }
.Ltmp2:
0x2b: {  	s22 =	sshra.s32 s21, $0x2;
	s21 =	sadd.s32 $0x100, s21;
	v0 =	vadd.f32 v1, v0;
	(pc) =	sbr.rel @p0 .LBB2_3-.Ltmp2, $4  }
0x2c: {  	v1 =	vld [tilespmem:s22+$0x6430];
	v7 =	vadd.f32 v3, v7  }
0x2d: {  	v3 =	vld [tilespmem:s22+$0x6400];
	v6 =	vadd.f32 v4, v6  }
0x2e: {  	v4 =	vld [tilespmem:s22+$0x6410];
	v5 =	vadd.f32 v2, v5  }
0x2f: {  	v2 =	vld [tilespmem:s22+$0x6420]  }
0x30: {  	_ = 	snop  }
0x31: {  	s21 =	sshll.u32 s20, $0x7;
	v0 =	vadd.f32 v1, v0  }
0x32: {  	p0 =	seq.s32 s20, $0x3F;
	s21 =	sand.u32 $0x3FFFFF80, s21;
	v3 =	vadd.f32 v3, v7  }
0x33: {  	s22 =	smul.u32 @!p0 $0x640, s20;
	v4 =	vadd.f32 v4, v6;
	[tilespmem:s21+$0xC830] =	vst v0  }
0x34: {  	v2 =	vadd.f32 v2, v5;
	[tilespmem:s21+$0xC800] =	vst v3  }
0x35: {  	s22 =	sshra.s32 @!p0 s22, $0x2;
	[tilespmem:s21+$0xC810] =	vst v4  }
0x36: {  	s24 =	simm.s32 @!p0 $0x68;
	s25 =	simm.s32 @!p0 $0x6400;
	s23 =	sadd.s32 @!p0 $0x190, s22;
	[tilespmem:s21+$0xC820] =	vst v2  }
0x37: {  	[tilespmem:s25], [sflag:$0x1] =	stream.indirect.gather @!p0 [hbm4b:s3+s24], $0x40, s23, s24, $0xb8;
	[tilespmem:$0xE800] =	vst v63  }
0x38: {  	s22 =	sadd.s32 @!p0 $0x1F8, s22;
	s23 =	simm.s32 @!p0 $0x60;
	s24 =	simm.s32 @!p0 $0x7E00  }
0x39: {  	[tilespmem:s24], [sflag:$0x1] =	stream.indirect.gather @!p0 [hbm4b:s3+s23], $0x40, s22, s23, $0xb8;
	[tilespmem:$0xE800] =	vst v63  }
0x3a: {  	_ =	swait.ge [sflag:s17], $0x1A00  }
0x3b: {  	[sflag:s17] =	ssyncset.done $0x0  }
0x3c: {  	[sflag:s17] =	ssyncadd.s32 $0xFFFFE600  }
0x3d: {  	_ =	swait.ge [sflag:s17], $0x1800  }
0x3e: {  	[sflag:s17] =	ssyncset.done $0x0  }
0x3f: {  	s31 =	simm.s32 $0x0;
	[sflag:s17] =	ssyncadd.s32 $0xFFFFE800  }
0x40: {  	v1 =	vld [tilespmem:s31+$0x9630]  }
0x41: {  	v2 =	vld [tilespmem:s31+$0x9600]  }
0x42: {  	v7 =	vimm.f32 $0.0e+00;
	v3 =	vld [tilespmem:s31+$0x9610]  }
0x43: {  	v0 =	vimm.f32 $0.0e+00;
	v6 =	vimm.f32 $0.0e+00;
	v5 =	vimm.f32 $0.0e+00;
	s22 =	simm.s32 $0x100;
	v4 =	vld [tilespmem:s31+$0x9620]  }
.LBB2_5:
0x44: {  	p1 =	sne.s32 s22, $0xC700  }
.Ltmp3:
0x45: {  	s23 =	sshra.s32 s22, $0x2;
	s22 =	sadd.s32 $0x100, s22;
	v0 =	vadd.f32 v1, v0;
	(pc) =	sbr.rel @p1 .LBB2_5-.Ltmp3, $4  }
0x46: {  	v1 =	vld [tilespmem:s23+$0x9630];
	v5 =	vadd.f32 v2, v5  }
0x47: {  	v2 =	vld [tilespmem:s23+$0x9600];
	v6 =	vadd.f32 v3, v6  }
0x48: {  	v3 =	vld [tilespmem:s23+$0x9610];
	v7 =	vadd.f32 v4, v7  }
0x49: {  	v4 =	vld [tilespmem:s23+$0x9620]  }
0x4a: {  	_ = 	snop  }
0x4b: {  	v0 =	vadd.f32 v1, v0  }
.Ltmp4:
0x4c: {  	v2 =	vadd.f32 v2, v5;
	(pc) =	sbr.rel @p0 .LBB2_8-.Ltmp4, $4  }
0x4d: {  	v3 =	vadd.f32 v3, v6;
	[tilespmem:s21+$0xC870] =	vst v0  }
0x4e: {  	v4 =	vadd.f32 v4, v7;
	[tilespmem:s21+$0xC840] =	vst v2  }
0x4f: {  	[tilespmem:s21+$0xC850] =	vst v3  }
0x50: {  	[tilespmem:s21+$0xC860] =	vst v4  }
0x51: {  	s21 =	smul.u32 $0x640, s20;
	_ =	sdelay $0x1  }
.Ltmp5:
0x52: {  	s21 =	sshra.s32 s21, $0x2;
	(pc) =	sbr.rel .LBB2_2-.Ltmp5, $4  }
0x53: {  	s22 =	sadd.s32 $0x258, s21  }
0x54: {  	[tilespmem:s13], [sflag:$0x2] =	stream.indirect.gather [hbm4b:s3+s8], $0x40, s22, s8, $0xb8;
	[tilespmem:$0xE800] =	vst v63  }
0x55: {  	s20 =	sadd.s32 $0x1, s20;
	s21 =	sadd.s32 $0x2C0, s21  }
0x56: {  	[tilespmem:s15], [sflag:$0x2] =	stream.indirect.gather [hbm4b:s3+s10], $0x40, s21, s10, $0xb8;
	[tilespmem:$0xE800] =	vst v63  }
.LBB2_9:
0x57: {  	_ =	sfence.sel $0x180000  }
0x58: {  	[bflag:$0x0] =	sbarrier.arrive $0xFFFF  }
0x59: {  	p0 =	sne.s32 s0, $0x0;
	_ =	strace $0x90000047  }
0x5a: {  	s0 =	sadd.s32 @!p0 $0x100000, s1;
	[bflag:$0x2] =	sbarrier.arrive $0xFFFF  }
0x5b: {  	[sflag:s0] =	ssyncadd.tile.s32 @!p0 $0x1;
	_ =	shalt  }
.Lfunc_end2:
_tile_overlayer_lowered:
.L_overlay_start_2:
0x5c: {  	(tag) =	ssettag $0x2  }
0x5d: {  	s0 =	rddreg [dreg:$0x0];
	s2 =	stileid.u32  }
0x5e: {  	s1 =	rddreg [dreg:$0x1];
	p0 =	sne.s32 s2, $0x0  }
0x5f: {  	s3 =	rddreg [dreg:$0x2];
	[bflag:$0x3] =	sbarrier.arrive $0xFFFF;
	s2 =	simm.s32 @!p0 $0x1C03  }
0x60: {  	[timem:s3], [sflag:s2] =	dma.local @!p0 [hbm:s0], s1  }
0x61: {  	s0 =	simm.s32 @!p0 $0x3  }
0x62: {  	_ =	swait.ge @!p0 [sflag:s0], s1  }
0x63: {  	s1 =	ssub.s32 @!p0 $0x0, s1;
	[sflag:s0] =	ssyncset.done @!p0 $0x0  }
0x64: {  	[sflag:s0] =	ssyncadd.s32 @!p0 s1  }
0x65: {  	[bflag:$0x3] =	sbarrier.arrive $0xFFFF  }
0x66: {  	_ =	shalt  }

</sc_bundles>
